<compile_context>
chip_gen: v7x
topology: tpu7x:2x2x1
jax: 0.10.2.dev20260603
libtpu: 0.0.44.dev20260713+nightly
codegen_flags: <defaults>
</compile_context>

<pallas_src>
import functools

import numpy as np

import jax
import jax.numpy as jnp
from jax import lax
from jax.experimental import pallas as pl
from jax.experimental.pallas import tpu as pltpu
from jax.experimental.pallas import tpu_sc as plsc

_ATOMS = 51
_V_MAX = 1.0
_V_MIN = -1.0
_BATCH = 16384
_TC_ROWS = 8192
_SC_WORKERS = 32
_SC_ROWS = _BATCH - _TC_ROWS
_SC_ROWS_PW = _SC_ROWS // _SC_WORKERS

_LN2 = 0.6931471805599453
_SQRT2 = 1.4142135623730951


def _projection_matrix(batch_size: int) -> np.ndarray:
    atoms = _ATOMS
    delta = np.float32((_V_MAX - _V_MIN) / (atoms - 1))
    supports = np.linspace(_V_MIN, _V_MAX, atoms).astype(np.float32)
    tz = np.clip(supports, np.float32(_V_MIN), np.float32(_V_MAX))
    b = (tz - np.float32(_V_MIN)) / delta
    l = np.floor(b).astype(np.int32)
    u = np.ceil(b).astype(np.int32)
    l2 = np.where((u > 0) & (l == u), l - 1, l)
    u2 = np.where((l2 < atoms - 1) & (l2 == u), u + 1, u)
    wl = (u2.astype(np.float32) - b).astype(np.float32)
    wu = (b - l2.astype(np.float32)).astype(np.float32)
    p = np.zeros((atoms, atoms), dtype=np.float64)
    for j in range(atoms):
        p[j, l2[j]] += wl[j]
        p[j, u2[j]] += wu[j]
    return (p.astype(np.float32) * (-1.0 / batch_size)).astype(np.float32)


def _tc_body(p_ref, a_ref, f_ref, out_ref):
    logf = jnp.log(f_ref[...] + 1e-16)
    skewed = jax.lax.dot_general(
        a_ref[...], p_ref[...],
        dimension_numbers=(((1,), (0,)), ((), ())),
        preferred_element_type=jnp.float32,
    )
    part = jnp.sum(skewed * logf, axis=(0, 1), keepdims=True)

    @pl.when(pl.program_id(0) == 0)
    def _init():
        out_ref[...] = part

    @pl.when(pl.program_id(0) != 0)
    def _acc():
        out_ref[...] += part


def _ln(y):
    i = lax.bitcast_convert_type(y, jnp.int32)
    e = lax.shift_right_arithmetic(i, 23) - 127
    m = lax.bitcast_convert_type(
        (i & jnp.int32(0x007FFFFF)) | jnp.int32(0x3F800000), jnp.float32)
    big = m > jnp.float32(_SQRT2)
    m2 = jnp.where(big, m * jnp.float32(0.5), m)
    e2 = jnp.where(big, e + 1, e).astype(jnp.float32)
    z = m2 - jnp.float32(1.0)
    t = z / (m2 + jnp.float32(1.0))
    t2 = t * t
    p = t * (jnp.float32(2.0) + t2 * (jnp.float32(2.0 / 3.0) + t2 * (
        jnp.float32(2.0 / 5.0) + t2 * jnp.float32(2.0 / 7.0))))
    return e2 * jnp.float32(_LN2) + p


def _sc_body(a_hbm, f_hbm, out_hbm, a_v, f_v, acc_v):
    wid = lax.axis_index("s") * 2 + lax.axis_index("c")
    base = _TC_ROWS + wid * _SC_ROWS_PW
    pltpu.sync_copy(a_hbm.at[pl.ds(base, _SC_ROWS_PW)], a_v)
    pltpu.sync_copy(f_hbm.at[pl.ds(base, _SC_ROWS_PW)], f_v)

    lanes = lax.iota(jnp.int32, 16)
    tail_keep = lanes >= 13

    def row_step(r, acc):
        for c0 in (0, 16, 32, 35):
            a = a_v[r, pl.ds(c0, 16)]
            f = f_v[r, pl.ds(c0, 16)]
            term = a * _ln(f + jnp.float32(1e-16))
            if c0 == 35:
                term = jnp.where(tail_keep, term, jnp.float32(0.0))
            acc = acc + term
        return acc

    acc = lax.fori_loop(0, _SC_ROWS_PW, row_step,
                        jnp.zeros((16,), jnp.float32))
    acc_v[...] = acc * jnp.float32(-1.0 / _BATCH)
    pltpu.sync_copy(acc_v, out_hbm.at[wid])


def _sc_call():
    return functools.partial(
        pl.kernel,
        out_type=jax.ShapeDtypeStruct((_SC_WORKERS, 16), jnp.float32),
        mesh=plsc.VectorSubcoreMesh(core_axis_name="c", subcore_axis_name="s"),
        scratch_types=[
            pltpu.VMEM((_SC_ROWS_PW, _ATOMS), jnp.float32),
            pltpu.VMEM((_SC_ROWS_PW, _ATOMS), jnp.float32),
            pltpu.VMEM((16,), jnp.float32),
        ],
        compiler_params=pltpu.CompilerParams(use_tc_tiling_on_sc=True),
    )


def kernel(anchor, feature):
    batch, atoms = anchor.shape
    proj = jnp.asarray(_projection_matrix(batch))
    block_b = 4096
    tc_part = pl.pallas_call(
        _tc_body,
        grid=(_TC_ROWS // block_b,),
        in_specs=[
            pl.BlockSpec((atoms, atoms), lambda i: (0, 0)),
            pl.BlockSpec((block_b, atoms), lambda i: (i, 0)),
            pl.BlockSpec((block_b, atoms), lambda i: (i, 0)),
        ],
        out_specs=pl.BlockSpec((1, 1), lambda i: (0, 0)),
        out_shape=jax.ShapeDtypeStruct((1, 1), jnp.float32),
    )(proj, anchor, feature)
    sc_part = _sc_call()(_sc_body)(anchor, feature)
    return tc_part[0, 0] + jnp.sum(sc_part)

# --- scband reference (transcript-rebuilt; emitter-appended) ---
"""Pipeline reference for scband-categorical-loss-39960375722307 (READ-ONLY COPY).

The authoritative reference and input builder live on the scoring server;
editing this copy changes nothing except your own understanding.
"""

import jax, jax.numpy as jnp
import numpy as np

ATOMS = 51
V_MAX = 1.0
V_MIN = -1.0


def setup_inputs(seed: int = 0) -> dict:
    key = jax.random.key(seed)
    k1, k2 = jax.random.split(key)
    anchor = jax.random.uniform(k1, (16384, ATOMS), dtype=jnp.float32)
    feature = jax.random.uniform(k2, (16384, ATOMS), dtype=jnp.float32)
    return {"anchor": anchor, "feature": feature}


def reference(anchor, feature):
    skewness = 0.0
    atoms = ATOMS
    v_max = V_MAX
    v_min = V_MIN
    delta = (v_max - v_min) / (atoms - 1)
    supports = jnp.linspace(v_min, v_max, atoms, dtype=jnp.float32)
    batch_size = feature.shape[0]
    skew = jnp.full((batch_size, atoms), skewness, dtype=jnp.float32)
    Tz = skew + supports.reshape(1, -1) * jnp.ones((batch_size, 1), dtype=jnp.float32)
    Tz = jnp.clip(Tz, v_min, v_max)
    b = (Tz - v_min) / delta
    l = jnp.floor(b).astype(jnp.int32)
    u = jnp.ceil(b).astype(jnp.int32)
    # torch: l[(u > 0) * (l == u)] -= 1  (l updated first)
    l2 = jnp.where((u > 0) & (l == u), l - 1, l)
    # torch: u[(l < atoms - 1) * (l == u)] += 1  (uses updated l)
    u2 = jnp.where((l2 < atoms - 1) & (l2 == u), u + 1, u)
    offset = (jnp.arange(batch_size, dtype=jnp.int32) * atoms)[:, None]
    offset = jnp.broadcast_to(offset, (batch_size, atoms))
    flat = jnp.zeros((batch_size * atoms,), dtype=jnp.float32)
    flat = flat.at[(l2 + offset).reshape(-1)].add((anchor * (u2.astype(jnp.float32) - b)).reshape(-1))
    flat = flat.at[(u2 + offset).reshape(-1)].add((anchor * (b - l2.astype(jnp.float32))).reshape(-1))
    skewed_anchor = flat.reshape(batch_size, atoms)
    loss = -(skewed_anchor * jnp.log(feature + 1e-16)).sum(-1).mean()
    return loss

if __name__ == "__main__":
    import jax
    _d = setup_inputs()
    print(jax.jit(kernel)(*tuple(_d.values())))

</pallas_src>

<mosaic_0001>
#map = affine_map<(d0, d1) -> (0, 0)>
module attributes {stable_mosaic.version = 14 : i64} {
  func.func @_sc_body(%arg0: i32, %arg1: i32, %arg2: memref<16384x51xf32, #tpu.memory_space<hbm>>, %arg3: memref<16384x51xf32, #tpu.memory_space<hbm>>, %arg4: memref<32x16xf32, #tpu.memory_space<hbm>>, %arg5: memref<256x51xf32, #tpu.memory_space<vmem>>, %arg6: memref<256x51xf32, #tpu.memory_space<vmem>>, %arg7: memref<16xf32, #tpu.memory_space<vmem>>) attributes {dimension_semantics = [#tpu.dimension_semantics<core_parallel>, #tpu.dimension_semantics<subcore_parallel>], iteration_bounds = array<i64: 2, 16>, scalar_prefetch = 0 : i64, scratch_operands = 3 : i64, tpu.core_type = #tpu.core_type<sc_vector_subcore>, window_params = [{transform_indices = #map}, {transform_indices = #map}, {transform_indices = #map}]} {
    %mul3A = arith.constant 2 : i32
    %mul3A_0 = arith.muli %arg1, %mul3A : i32
    %add3A = arith.addi %mul3A_0, %arg0 : i32
    %mul3A_1 = arith.constant 256 : i32
    %mul3A_2 = arith.muli %add3A, %mul3A_1 : i32
    %add3A_3 = arith.constant 8192 : i32
    %add3A_4 = arith.addi %add3A_3, %mul3A_2 : i32
    "tpu.region"() ({
      %run_scoped3A = tpu.sem_alloc : memref<!tpu.dma_semaphore, #tpu.memory_space<semaphore_mem>>
      %dma_start3A = arith.constant 0 : i32
      %dma_start3A_19 = tpu.memref_slice %arg2[%add3A_4, %dma_start3A] : memref<16384x51xf32, #tpu.memory_space<hbm>> -> memref<256x51xf32, #tpu.memory_space<hbm>>
      %dma_start3A_20 = arith.constant 0 : i32
      %dma_start3A_21 = tpu.memref_slice %arg2[%add3A_4, %dma_start3A_20] : memref<16384x51xf32, #tpu.memory_space<hbm>> -> memref<256x51xf32, #tpu.memory_space<hbm>>
      tpu.enqueue_dma source(%dma_start3A_21 : memref<256x51xf32, #tpu.memory_space<hbm>>) target(%arg5 : memref<256x51xf32, #tpu.memory_space<vmem>>) target_semaphore(%run_scoped3A : memref<!tpu.dma_semaphore, #tpu.memory_space<semaphore_mem>>)
      %dma_wait3A = arith.constant 0 : i32
      %dma_wait3A_22 = tpu.memref_slice %arg2[%add3A_4, %dma_wait3A] : memref<16384x51xf32, #tpu.memory_space<hbm>> -> memref<256x51xf32, #tpu.memory_space<hbm>>
      %dma_wait3A_23 = arith.constant 0 : i32
      %dma_wait3A_24 = tpu.memref_slice %arg2[%add3A_4, %dma_wait3A_23] : memref<16384x51xf32, #tpu.memory_space<hbm>> -> memref<256x51xf32, #tpu.memory_space<hbm>>
      tpu.wait_dma2 semaphore(%run_scoped3A : memref<!tpu.dma_semaphore, #tpu.memory_space<semaphore_mem>>) src(%dma_wait3A_24 : memref<256x51xf32, #tpu.memory_space<hbm>>) dst(%arg5 : memref<256x51xf32, #tpu.memory_space<vmem>>)
      tpu.yield
    }) : () -> ()
    "tpu.region"() ({
      %run_scoped3A = tpu.sem_alloc : memref<!tpu.dma_semaphore, #tpu.memory_space<semaphore_mem>>
      %dma_start3A = arith.constant 0 : i32
      %dma_start3A_19 = tpu.memref_slice %arg3[%add3A_4, %dma_start3A] : memref<16384x51xf32, #tpu.memory_space<hbm>> -> memref<256x51xf32, #tpu.memory_space<hbm>>
      %dma_start3A_20 = arith.constant 0 : i32
      %dma_start3A_21 = tpu.memref_slice %arg3[%add3A_4, %dma_start3A_20] : memref<16384x51xf32, #tpu.memory_space<hbm>> -> memref<256x51xf32, #tpu.memory_space<hbm>>
      tpu.enqueue_dma source(%dma_start3A_21 : memref<256x51xf32, #tpu.memory_space<hbm>>) target(%arg6 : memref<256x51xf32, #tpu.memory_space<vmem>>) target_semaphore(%run_scoped3A : memref<!tpu.dma_semaphore, #tpu.memory_space<semaphore_mem>>)
      %dma_wait3A = arith.constant 0 : i32
      %dma_wait3A_22 = tpu.memref_slice %arg3[%add3A_4, %dma_wait3A] : memref<16384x51xf32, #tpu.memory_space<hbm>> -> memref<256x51xf32, #tpu.memory_space<hbm>>
      %dma_wait3A_23 = arith.constant 0 : i32
      %dma_wait3A_24 = tpu.memref_slice %arg3[%add3A_4, %dma_wait3A_23] : memref<16384x51xf32, #tpu.memory_space<hbm>> -> memref<256x51xf32, #tpu.memory_space<hbm>>
      tpu.wait_dma2 semaphore(%run_scoped3A : memref<!tpu.dma_semaphore, #tpu.memory_space<semaphore_mem>>) src(%dma_wait3A_24 : memref<256x51xf32, #tpu.memory_space<hbm>>) dst(%arg6 : memref<256x51xf32, #tpu.memory_space<vmem>>)
      tpu.yield
    }) : () -> ()
    %iota3A = tpu.iota {dimensions = array<i32: 0>} : vector<16xi32>
    %ge3A = arith.constant 13 : i32
    %ge3A_5 = vector.broadcast %ge3A : i32 to vector<16xi32>
    %ge3A_6 = arith.cmpi sge, %iota3A, %ge3A_5 : vector<16xi32>
    %broadcast_in_dim3A = arith.constant 0.000000e+00 : f32
    %broadcast_in_dim3A_7 = vector.broadcast %broadcast_in_dim3A : f32 to vector<16xf32>
    %scan3A = arith.constant 0 : i32
    %scan3A_8 = arith.constant 256 : i32
    %scan3A_9 = arith.addi %scan3A, %scan3A_8 : i32
    %scan3A_10 = arith.constant 1 : i32
    %scan3A_11 = scf.for %scan3A_19 = %scan3A to %scan3A_9 step %scan3A_10 iter_args(%scan3A_20 = %broadcast_in_dim3A_7) -> (vector<16xf32>)  : i32 {
      %get3A = arith.index_cast %scan3A_19 : i32 to index
      %get3A_21 = arith.constant 0 : index
      %get3A_22 = tpu.vector_load %arg5[%get3A, %get3A_21] {strides = array<i32>} : memref<256x51xf32, #tpu.memory_space<vmem>>, vector<1x16xf32>,
      %get3A_23 = vector.shape_cast %get3A_22 : vector<1x16xf32> to vector<16xf32>
      %get3A_24 = arith.index_cast %scan3A_19 : i32 to index
      %get3A_25 = arith.constant 0 : index
      %get3A_26 = tpu.vector_load %arg6[%get3A_24, %get3A_25] {strides = array<i32>} : memref<256x51xf32, #tpu.memory_space<vmem>>, vector<1x16xf32>,
      %get3A_27 = vector.shape_cast %get3A_26 : vector<1x16xf32> to vector<16xf32>
      %add3A_28 = arith.constant 1.000000e-16 : f32
      %add3A_29 = vector.broadcast %add3A_28 : f32 to vector<16xf32>
      %add3A_30 = arith.addf %get3A_27, %add3A_29 : vector<16xf32>
      %bitcast_convert_type3A = tpu.bitcast %add3A_30 : vector<16xf32> -> vector<16xi32>
      %shift_right_arithmetic3A = arith.constant 23 : i32
      %shift_right_arithmetic3A_31 = vector.broadcast %shift_right_arithmetic3A : i32 to vector<16xi32>
      %shift_right_arithmetic3A_32 = arith.shrsi %bitcast_convert_type3A, %shift_right_arithmetic3A_31 : vector<16xi32>
      %sub3A = arith.constant 127 : i32
      %sub3A_33 = vector.broadcast %sub3A : i32 to vector<16xi32>
      %sub3A_34 = arith.subi %shift_right_arithmetic3A_32, %sub3A_33 : vector<16xi32>
      %and3A = arith.constant 8388607 : i32
      %and3A_35 = vector.broadcast %and3A : i32 to vector<16xi32>
      %and3A_36 = arith.andi %bitcast_convert_type3A, %and3A_35 : vector<16xi32>
      %or3A = arith.constant 1065353216 : i32
      %or3A_37 = vector.broadcast %or3A : i32 to vector<16xi32>
      %or3A_38 = arith.ori %and3A_36, %or3A_37 : vector<16xi32>
      %bitcast_convert_type3A_39 = tpu.bitcast %or3A_38 : vector<16xi32> -> vector<16xf32>
      %gt3A = arith.constant 1.41421354 : f32
      %gt3A_40 = vector.broadcast %gt3A : f32 to vector<16xf32>
      %gt3A_41 = arith.cmpf ogt, %bitcast_convert_type3A_39, %gt3A_40 : vector<16xf32>
      %mul3A_42 = arith.constant 5.000000e-01 : f32
      %mul3A_43 = vector.broadcast %mul3A_42 : f32 to vector<16xf32>
      %mul3A_44 = arith.mulf %bitcast_convert_type3A_39, %mul3A_43 : vector<16xf32>
      %select_n3A = arith.select %gt3A_41, %mul3A_44, %bitcast_convert_type3A_39 : vector<16xi1>, vector<16xf32>
      %add3A_45 = arith.constant 1 : i32
      %add3A_46 = vector.broadcast %add3A_45 : i32 to vector<16xi32>
      %add3A_47 = arith.addi %sub3A_34, %add3A_46 : vector<16xi32>
      %select_n3A_48 = arith.select %gt3A_41, %add3A_47, %sub3A_34 : vector<16xi1>, vector<16xi32>
      %convert_element_type3A = arith.sitofp %select_n3A_48 : vector<16xi32> to vector<16xf32>
      %sub3A_49 = arith.constant 1.000000e+00 : f32
      %sub3A_50 = vector.broadcast %sub3A_49 : f32 to vector<16xf32>
      %sub3A_51 = arith.subf %select_n3A, %sub3A_50 : vector<16xf32>
      %add3A_52 = arith.constant 1.000000e+00 : f32
      %add3A_53 = vector.broadcast %add3A_52 : f32 to vector<16xf32>
      %add3A_54 = arith.addf %select_n3A, %add3A_53 : vector<16xf32>
      %div3A = arith.divf %sub3A_51, %add3A_54 : vector<16xf32>
      %mul3A_55 = arith.mulf %div3A, %div3A : vector<16xf32>
      %mul3A_56 = arith.constant 0.285714298 : f32
      %mul3A_57 = vector.broadcast %mul3A_56 : f32 to vector<16xf32>
      %mul3A_58 = arith.mulf %mul3A_55, %mul3A_57 : vector<16xf32>
      %add3A_59 = arith.constant 4.000000e-01 : f32
      %add3A_60 = vector.broadcast %add3A_59 : f32 to vector<16xf32>
      %add3A_61 = arith.addf %add3A_60, %mul3A_58 : vector<16xf32>
      %mul3A_62 = arith.mulf %mul3A_55, %add3A_61 : vector<16xf32>
      %add3A_63 = arith.constant 0.666666686 : f32
      %add3A_64 = vector.broadcast %add3A_63 : f32 to vector<16xf32>
      %add3A_65 = arith.addf %add3A_64, %mul3A_62 : vector<16xf32>
      %mul3A_66 = arith.mulf %mul3A_55, %add3A_65 : vector<16xf32>
      %add3A_67 = arith.constant 2.000000e+00 : f32
      %add3A_68 = vector.broadcast %add3A_67 : f32 to vector<16xf32>
      %add3A_69 = arith.addf %add3A_68, %mul3A_66 : vector<16xf32>
      %mul3A_70 = arith.mulf %div3A, %add3A_69 : vector<16xf32>
      %mul3A_71 = arith.constant 0.693147182 : f32
      %mul3A_72 = vector.broadcast %mul3A_71 : f32 to vector<16xf32>
      %mul3A_73 = arith.mulf %convert_element_type3A, %mul3A_72 : vector<16xf32>
      %add3A_74 = arith.addf %mul3A_73, %mul3A_70 : vector<16xf32>
      %mul3A_75 = arith.mulf %get3A_23, %add3A_74 : vector<16xf32>
      %add3A_76 = arith.addf %scan3A_20, %mul3A_75 : vector<16xf32>
      %get3A_77 = arith.index_cast %scan3A_19 : i32 to index
      %get3A_78 = arith.constant 16 : index
      %get3A_79 = tpu.vector_load %arg5[%get3A_77, %get3A_78] {strides = array<i32>} : memref<256x51xf32, #tpu.memory_space<vmem>>, vector<1x16xf32>,
      %get3A_80 = vector.shape_cast %get3A_79 : vector<1x16xf32> to vector<16xf32>
      %get3A_81 = arith.index_cast %scan3A_19 : i32 to index
      %get3A_82 = arith.constant 16 : index
      %get3A_83 = tpu.vector_load %arg6[%get3A_81, %get3A_82] {strides = array<i32>} : memref<256x51xf32, #tpu.memory_space<vmem>>, vector<1x16xf32>,
      %get3A_84 = vector.shape_cast %get3A_83 : vector<1x16xf32> to vector<16xf32>
      %add3A_85 = arith.constant 1.000000e-16 : f32
      %add3A_86 = vector.broadcast %add3A_85 : f32 to vector<16xf32>
      %add3A_87 = arith.addf %get3A_84, %add3A_86 : vector<16xf32>
      %bitcast_convert_type3A_88 = tpu.bitcast %add3A_87 : vector<16xf32> -> vector<16xi32>
      %shift_right_arithmetic3A_89 = arith.constant 23 : i32
      %shift_right_arithmetic3A_90 = vector.broadcast %shift_right_arithmetic3A_89 : i32 to vector<16xi32>
      %shift_right_arithmetic3A_91 = arith.shrsi %bitcast_convert_type3A_88, %shift_right_arithmetic3A_90 : vector<16xi32>
      %sub3A_92 = arith.constant 127 : i32
      %sub3A_93 = vector.broadcast %sub3A_92 : i32 to vector<16xi32>
      %sub3A_94 = arith.subi %shift_right_arithmetic3A_91, %sub3A_93 : vector<16xi32>
      %and3A_95 = arith.constant 8388607 : i32
      %and3A_96 = vector.broadcast %and3A_95 : i32 to vector<16xi32>
      %and3A_97 = arith.andi %bitcast_convert_type3A_88, %and3A_96 : vector<16xi32>
      %or3A_98 = arith.constant 1065353216 : i32
      %or3A_99 = vector.broadcast %or3A_98 : i32 to vector<16xi32>
      %or3A_100 = arith.ori %and3A_97, %or3A_99 : vector<16xi32>
      %bitcast_convert_type3A_101 = tpu.bitcast %or3A_100 : vector<16xi32> -> vector<16xf32>
      %gt3A_102 = arith.constant 1.41421354 : f32
      %gt3A_103 = vector.broadcast %gt3A_102 : f32 to vector<16xf32>
      %gt3A_104 = arith.cmpf ogt, %bitcast_convert_type3A_101, %gt3A_103 : vector<16xf32>
      %mul3A_105 = arith.constant 5.000000e-01 : f32
      %mul3A_106 = vector.broadcast %mul3A_105 : f32 to vector<16xf32>
      %mul3A_107 = arith.mulf %bitcast_convert_type3A_101, %mul3A_106 : vector<16xf32>
      %select_n3A_108 = arith.select %gt3A_104, %mul3A_107, %bitcast_convert_type3A_101 : vector<16xi1>, vector<16xf32>
      %add3A_109 = arith.constant 1 : i32
      %add3A_110 = vector.broadcast %add3A_109 : i32 to vector<16xi32>
      %add3A_111 = arith.addi %sub3A_94, %add3A_110 : vector<16xi32>
      %select_n3A_112 = arith.select %gt3A_104, %add3A_111, %sub3A_94 : vector<16xi1>, vector<16xi32>
      %convert_element_type3A_113 = arith.sitofp %select_n3A_112 : vector<16xi32> to vector<16xf32>
      %sub3A_114 = arith.constant 1.000000e+00 : f32
      %sub3A_115 = vector.broadcast %sub3A_114 : f32 to vector<16xf32>
      %sub3A_116 = arith.subf %select_n3A_108, %sub3A_115 : vector<16xf32>
      %add3A_117 = arith.constant 1.000000e+00 : f32
      %add3A_118 = vector.broadcast %add3A_117 : f32 to vector<16xf32>
      %add3A_119 = arith.addf %select_n3A_108, %add3A_118 : vector<16xf32>
      %div3A_120 = arith.divf %sub3A_116, %add3A_119 : vector<16xf32>
      %mul3A_121 = arith.mulf %div3A_120, %div3A_120 : vector<16xf32>
      %mul3A_122 = arith.constant 0.285714298 : f32
      %mul3A_123 = vector.broadcast %mul3A_122 : f32 to vector<16xf32>
      %mul3A_124 = arith.mulf %mul3A_121, %mul3A_123 : vector<16xf32>
      %add3A_125 = arith.constant 4.000000e-01 : f32
      %add3A_126 = vector.broadcast %add3A_125 : f32 to vector<16xf32>
      %add3A_127 = arith.addf %add3A_126, %mul3A_124 : vector<16xf32>
      %mul3A_128 = arith.mulf %mul3A_121, %add3A_127 : vector<16xf32>
      %add3A_129 = arith.constant 0.666666686 : f32
      %add3A_130 = vector.broadcast %add3A_129 : f32 to vector<16xf32>
      %add3A_131 = arith.addf %add3A_130, %mul3A_128 : vector<16xf32>
      %mul3A_132 = arith.mulf %mul3A_121, %add3A_131 : vector<16xf32>
      %add3A_133 = arith.constant 2.000000e+00 : f32
      %add3A_134 = vector.broadcast %add3A_133 : f32 to vector<16xf32>
      %add3A_135 = arith.addf %add3A_134, %mul3A_132 : vector<16xf32>
      %mul3A_136 = arith.mulf %div3A_120, %add3A_135 : vector<16xf32>
      %mul3A_137 = arith.constant 0.693147182 : f32
      %mul3A_138 = vector.broadcast %mul3A_137 : f32 to vector<16xf32>
      %mul3A_139 = arith.mulf %convert_element_type3A_113, %mul3A_138 : vector<16xf32>
      %add3A_140 = arith.addf %mul3A_139, %mul3A_136 : vector<16xf32>
      %mul3A_141 = arith.mulf %get3A_80, %add3A_140 : vector<16xf32>
      %add3A_142 = arith.addf %add3A_76, %mul3A_141 : vector<16xf32>
      %get3A_143 = arith.index_cast %scan3A_19 : i32 to index
      %get3A_144 = arith.constant 32 : index
      %get3A_145 = tpu.vector_load %arg5[%get3A_143, %get3A_144] {strides = array<i32>} : memref<256x51xf32, #tpu.memory_space<vmem>>, vector<1x16xf32>,
      %get3A_146 = vector.shape_cast %get3A_145 : vector<1x16xf32> to vector<16xf32>
      %get3A_147 = arith.index_cast %scan3A_19 : i32 to index
      %get3A_148 = arith.constant 32 : index
      %get3A_149 = tpu.vector_load %arg6[%get3A_147, %get3A_148] {strides = array<i32>} : memref<256x51xf32, #tpu.memory_space<vmem>>, vector<1x16xf32>,
      %get3A_150 = vector.shape_cast %get3A_149 : vector<1x16xf32> to vector<16xf32>
      %add3A_151 = arith.constant 1.000000e-16 : f32
      %add3A_152 = vector.broadcast %add3A_151 : f32 to vector<16xf32>
      %add3A_153 = arith.addf %get3A_150, %add3A_152 : vector<16xf32>
      %bitcast_convert_type3A_154 = tpu.bitcast %add3A_153 : vector<16xf32> -> vector<16xi32>
      %shift_right_arithmetic3A_155 = arith.constant 23 : i32
      %shift_right_arithmetic3A_156 = vector.broadcast %shift_right_arithmetic3A_155 : i32 to vector<16xi32>
      %shift_right_arithmetic3A_157 = arith.shrsi %bitcast_convert_type3A_154, %shift_right_arithmetic3A_156 : vector<16xi32>
      %sub3A_158 = arith.constant 127 : i32
      %sub3A_159 = vector.broadcast %sub3A_158 : i32 to vector<16xi32>
      %sub3A_160 = arith.subi %shift_right_arithmetic3A_157, %sub3A_159 : vector<16xi32>
      %and3A_161 = arith.constant 8388607 : i32
      %and3A_162 = vector.broadcast %and3A_161 : i32 to vector<16xi32>
      %and3A_163 = arith.andi %bitcast_convert_type3A_154, %and3A_162 : vector<16xi32>
      %or3A_164 = arith.constant 1065353216 : i32
      %or3A_165 = vector.broadcast %or3A_164 : i32 to vector<16xi32>
      %or3A_166 = arith.ori %and3A_163, %or3A_165 : vector<16xi32>
      %bitcast_convert_type3A_167 = tpu.bitcast %or3A_166 : vector<16xi32> -> vector<16xf32>
      %gt3A_168 = arith.constant 1.41421354 : f32
      %gt3A_169 = vector.broadcast %gt3A_168 : f32 to vector<16xf32>
      %gt3A_170 = arith.cmpf ogt, %bitcast_convert_type3A_167, %gt3A_169 : vector<16xf32>
      %mul3A_171 = arith.constant 5.000000e-01 : f32
      %mul3A_172 = vector.broadcast %mul3A_171 : f32 to vector<16xf32>
      %mul3A_173 = arith.mulf %bitcast_convert_type3A_167, %mul3A_172 : vector<16xf32>
      %select_n3A_174 = arith.select %gt3A_170, %mul3A_173, %bitcast_convert_type3A_167 : vector<16xi1>, vector<16xf32>
      %add3A_175 = arith.constant 1 : i32
      %add3A_176 = vector.broadcast %add3A_175 : i32 to vector<16xi32>
      %add3A_177 = arith.addi %sub3A_160, %add3A_176 : vector<16xi32>
      %select_n3A_178 = arith.select %gt3A_170, %add3A_177, %sub3A_160 : vector<16xi1>, vector<16xi32>
      %convert_element_type3A_179 = arith.sitofp %select_n3A_178 : vector<16xi32> to vector<16xf32>
      %sub3A_180 = arith.constant 1.000000e+00 : f32
      %sub3A_181 = vector.broadcast %sub3A_180 : f32 to vector<16xf32>
      %sub3A_182 = arith.subf %select_n3A_174, %sub3A_181 : vector<16xf32>
      %add3A_183 = arith.constant 1.000000e+00 : f32
      %add3A_184 = vector.broadcast %add3A_183 : f32 to vector<16xf32>
      %add3A_185 = arith.addf %select_n3A_174, %add3A_184 : vector<16xf32>
      %div3A_186 = arith.divf %sub3A_182, %add3A_185 : vector<16xf32>
      %mul3A_187 = arith.mulf %div3A_186, %div3A_186 : vector<16xf32>
      %mul3A_188 = arith.constant 0.285714298 : f32
      %mul3A_189 = vector.broadcast %mul3A_188 : f32 to vector<16xf32>
      %mul3A_190 = arith.mulf %mul3A_187, %mul3A_189 : vector<16xf32>
      %add3A_191 = arith.constant 4.000000e-01 : f32
      %add3A_192 = vector.broadcast %add3A_191 : f32 to vector<16xf32>
      %add3A_193 = arith.addf %add3A_192, %mul3A_190 : vector<16xf32>
      %mul3A_194 = arith.mulf %mul3A_187, %add3A_193 : vector<16xf32>
      %add3A_195 = arith.constant 0.666666686 : f32
      %add3A_196 = vector.broadcast %add3A_195 : f32 to vector<16xf32>
      %add3A_197 = arith.addf %add3A_196, %mul3A_194 : vector<16xf32>
      %mul3A_198 = arith.mulf %mul3A_187, %add3A_197 : vector<16xf32>
      %add3A_199 = arith.constant 2.000000e+00 : f32
      %add3A_200 = vector.broadcast %add3A_199 : f32 to vector<16xf32>
      %add3A_201 = arith.addf %add3A_200, %mul3A_198 : vector<16xf32>
      %mul3A_202 = arith.mulf %div3A_186, %add3A_201 : vector<16xf32>
      %mul3A_203 = arith.constant 0.693147182 : f32
      %mul3A_204 = vector.broadcast %mul3A_203 : f32 to vector<16xf32>
      %mul3A_205 = arith.mulf %convert_element_type3A_179, %mul3A_204 : vector<16xf32>
      %add3A_206 = arith.addf %mul3A_205, %mul3A_202 : vector<16xf32>
      %mul3A_207 = arith.mulf %get3A_146, %add3A_206 : vector<16xf32>
      %add3A_208 = arith.addf %add3A_142, %mul3A_207 : vector<16xf32>
      %get3A_209 = arith.index_cast %scan3A_19 : i32 to index
      %get3A_210 = arith.constant 35 : index
      %get3A_211 = tpu.vector_load %arg5[%get3A_209, %get3A_210] {strides = array<i32>} : memref<256x51xf32, #tpu.memory_space<vmem>>, vector<1x16xf32>,
      %get3A_212 = vector.shape_cast %get3A_211 : vector<1x16xf32> to vector<16xf32>
      %get3A_213 = arith.index_cast %scan3A_19 : i32 to index
      %get3A_214 = arith.constant 35 : index
      %get3A_215 = tpu.vector_load %arg6[%get3A_213, %get3A_214] {strides = array<i32>} : memref<256x51xf32, #tpu.memory_space<vmem>>, vector<1x16xf32>,
      %get3A_216 = vector.shape_cast %get3A_215 : vector<1x16xf32> to vector<16xf32>
      %add3A_217 = arith.constant 1.000000e-16 : f32
      %add3A_218 = vector.broadcast %add3A_217 : f32 to vector<16xf32>
      %add3A_219 = arith.addf %get3A_216, %add3A_218 : vector<16xf32>
      %bitcast_convert_type3A_220 = tpu.bitcast %add3A_219 : vector<16xf32> -> vector<16xi32>
      %shift_right_arithmetic3A_221 = arith.constant 23 : i32
      %shift_right_arithmetic3A_222 = vector.broadcast %shift_right_arithmetic3A_221 : i32 to vector<16xi32>
      %shift_right_arithmetic3A_223 = arith.shrsi %bitcast_convert_type3A_220, %shift_right_arithmetic3A_222 : vector<16xi32>
      %sub3A_224 = arith.constant 127 : i32
      %sub3A_225 = vector.broadcast %sub3A_224 : i32 to vector<16xi32>
      %sub3A_226 = arith.subi %shift_right_arithmetic3A_223, %sub3A_225 : vector<16xi32>
      %and3A_227 = arith.constant 8388607 : i32
      %and3A_228 = vector.broadcast %and3A_227 : i32 to vector<16xi32>
      %and3A_229 = arith.andi %bitcast_convert_type3A_220, %and3A_228 : vector<16xi32>
      %or3A_230 = arith.constant 1065353216 : i32
      %or3A_231 = vector.broadcast %or3A_230 : i32 to vector<16xi32>
      %or3A_232 = arith.ori %and3A_229, %or3A_231 : vector<16xi32>
      %bitcast_convert_type3A_233 = tpu.bitcast %or3A_232 : vector<16xi32> -> vector<16xf32>
      %gt3A_234 = arith.constant 1.41421354 : f32
      %gt3A_235 = vector.broadcast %gt3A_234 : f32 to vector<16xf32>
      %gt3A_236 = arith.cmpf ogt, %bitcast_convert_type3A_233, %gt3A_235 : vector<16xf32>
      %mul3A_237 = arith.constant 5.000000e-01 : f32
      %mul3A_238 = vector.broadcast %mul3A_237 : f32 to vector<16xf32>
      %mul3A_239 = arith.mulf %bitcast_convert_type3A_233, %mul3A_238 : vector<16xf32>
      %select_n3A_240 = arith.select %gt3A_236, %mul3A_239, %bitcast_convert_type3A_233 : vector<16xi1>, vector<16xf32>
      %add3A_241 = arith.constant 1 : i32
      %add3A_242 = vector.broadcast %add3A_241 : i32 to vector<16xi32>
      %add3A_243 = arith.addi %sub3A_226, %add3A_242 : vector<16xi32>
      %select_n3A_244 = arith.select %gt3A_236, %add3A_243, %sub3A_226 : vector<16xi1>, vector<16xi32>
      %convert_element_type3A_245 = arith.sitofp %select_n3A_244 : vector<16xi32> to vector<16xf32>
      %sub3A_246 = arith.constant 1.000000e+00 : f32
      %sub3A_247 = vector.broadcast %sub3A_246 : f32 to vector<16xf32>
      %sub3A_248 = arith.subf %select_n3A_240, %sub3A_247 : vector<16xf32>
      %add3A_249 = arith.constant 1.000000e+00 : f32
      %add3A_250 = vector.broadcast %add3A_249 : f32 to vector<16xf32>
      %add3A_251 = arith.addf %select_n3A_240, %add3A_250 : vector<16xf32>
      %div3A_252 = arith.divf %sub3A_248, %add3A_251 : vector<16xf32>
      %mul3A_253 = arith.mulf %div3A_252, %div3A_252 : vector<16xf32>
      %mul3A_254 = arith.constant 0.285714298 : f32
      %mul3A_255 = vector.broadcast %mul3A_254 : f32 to vector<16xf32>
      %mul3A_256 = arith.mulf %mul3A_253, %mul3A_255 : vector<16xf32>
      %add3A_257 = arith.constant 4.000000e-01 : f32
      %add3A_258 = vector.broadcast %add3A_257 : f32 to vector<16xf32>
      %add3A_259 = arith.addf %add3A_258, %mul3A_256 : vector<16xf32>
      %mul3A_260 = arith.mulf %mul3A_253, %add3A_259 : vector<16xf32>
      %add3A_261 = arith.constant 0.666666686 : f32
      %add3A_262 = vector.broadcast %add3A_261 : f32 to vector<16xf32>
      %add3A_263 = arith.addf %add3A_262, %mul3A_260 : vector<16xf32>
      %mul3A_264 = arith.mulf %mul3A_253, %add3A_263 : vector<16xf32>
      %add3A_265 = arith.constant 2.000000e+00 : f32
      %add3A_266 = vector.broadcast %add3A_265 : f32 to vector<16xf32>
      %add3A_267 = arith.addf %add3A_266, %mul3A_264 : vector<16xf32>
      %mul3A_268 = arith.mulf %div3A_252, %add3A_267 : vector<16xf32>
      %mul3A_269 = arith.constant 0.693147182 : f32
      %mul3A_270 = vector.broadcast %mul3A_269 : f32 to vector<16xf32>
      %mul3A_271 = arith.mulf %convert_element_type3A_245, %mul3A_270 : vector<16xf32>
      %add3A_272 = arith.addf %mul3A_271, %mul3A_268 : vector<16xf32>
      %mul3A_273 = arith.mulf %get3A_212, %add3A_272 : vector<16xf32>
      %jit3A = arith.constant 0.000000e+00 : f32
      %broadcast_in_dim3A_274 = vector.broadcast %jit3A : f32 to vector<16xf32>
      %select_n3A_275 = arith.select %ge3A_6, %mul3A_273, %broadcast_in_dim3A_274 : vector<16xi1>, vector<16xf32>
      %add3A_276 = arith.addf %add3A_208, %select_n3A_275 : vector<16xf32>
      scf.yield %add3A_276 : vector<16xf32>
    }
    %scan3A_12 = arith.constant 256 : i32
    %mul3A_13 = arith.constant -6.10351563E-5 : f32
    %mul3A_14 = vector.broadcast %mul3A_13 : f32 to vector<16xf32>
    %mul3A_15 = arith.mulf %scan3A_11, %mul3A_14 : vector<16xf32>
    %swap3A = arith.constant 0 : index
    %swap3A_16 = tpu.vector_load %arg7[%swap3A] {strides = array<i32>} : memref<16xf32, #tpu.memory_space<vmem>>, vector<16xf32>,
    %swap3A_17 = vector.shape_cast %swap3A_16 : vector<16xf32> to vector<16xf32>
    %swap3A_18 = vector.shape_cast %mul3A_15 : vector<16xf32> to vector<16xf32>
    tpu.vector_store %arg7[%swap3A], %swap3A_18 {strides = array<i32>} : memref<16xf32, #tpu.memory_space<vmem>>, vector<16xf32>,
    "tpu.region"() ({
      %run_scoped3A = tpu.sem_alloc : memref<!tpu.dma_semaphore, #tpu.memory_space<semaphore_mem>>
      %dma_start3A = arith.constant 0 : i32
      %dma_start3A_19 = tpu.memref_slice %arg4[%add3A, %dma_start3A] : memref<32x16xf32, #tpu.memory_space<hbm>> -> memref<1x16xf32, #tpu.memory_space<hbm>>
      %dma_start3A_20 = tpu.memref_squeeze %dma_start3A_19 : memref<1x16xf32, #tpu.memory_space<hbm>> -> memref<16xf32, #tpu.memory_space<hbm>>
      %dma_start3A_21 = arith.constant 0 : i32
      %dma_start3A_22 = tpu.memref_slice %arg4[%add3A, %dma_start3A_21] : memref<32x16xf32, #tpu.memory_space<hbm>> -> memref<1x16xf32, #tpu.memory_space<hbm>>
      %dma_start3A_23 = tpu.memref_squeeze %dma_start3A_22 : memref<1x16xf32, #tpu.memory_space<hbm>> -> memref<16xf32, #tpu.memory_space<hbm>>
      tpu.enqueue_dma source(%arg7 : memref<16xf32, #tpu.memory_space<vmem>>) target(%dma_start3A_23 : memref<16xf32, #tpu.memory_space<hbm>>) target_semaphore(%run_scoped3A : memref<!tpu.dma_semaphore, #tpu.memory_space<semaphore_mem>>)
      %dma_wait3A = arith.constant 0 : i32
      %dma_wait3A_24 = tpu.memref_slice %arg4[%add3A, %dma_wait3A] : memref<32x16xf32, #tpu.memory_space<hbm>> -> memref<1x16xf32, #tpu.memory_space<hbm>>
      %dma_wait3A_25 = tpu.memref_squeeze %dma_wait3A_24 : memref<1x16xf32, #tpu.memory_space<hbm>> -> memref<16xf32, #tpu.memory_space<hbm>>
      %dma_wait3A_26 = arith.constant 0 : i32
      %dma_wait3A_27 = tpu.memref_slice %arg4[%add3A, %dma_wait3A_26] : memref<32x16xf32, #tpu.memory_space<hbm>> -> memref<1x16xf32, #tpu.memory_space<hbm>>
      %dma_wait3A_28 = tpu.memref_squeeze %dma_wait3A_27 : memref<1x16xf32, #tpu.memory_space<hbm>> -> memref<16xf32, #tpu.memory_space<hbm>>
      tpu.wait_dma2 semaphore(%run_scoped3A : memref<!tpu.dma_semaphore, #tpu.memory_space<semaphore_mem>>) src(%arg7 : memref<16xf32, #tpu.memory_space<vmem>>) dst(%dma_wait3A_28 : memref<16xf32, #tpu.memory_space<hbm>>)
      tpu.yield
    }) : () -> ()
    return
  }
}

module attributes {stable_mosaic.version = 14 : i64} {
  func.func @_tc_body(%arg0: i32, %arg1: memref<51x51xf32, #tpu.memory_space<vmem>>, %arg2: memref<4096x51xf32, #tpu.memory_space<vmem>>, %arg3: memref<4096x51xf32, #tpu.memory_space<vmem>>, %arg4: memref<1x1xf32, #tpu.memory_space<vmem>>) attributes {dimension_semantics = [#tpu.dimension_semantics<arbitrary>], iteration_bounds = array<i64: 2>, scalar_prefetch = 0 : i64, scratch_operands = 0 : i64, tpu.core_type = #tpu.core_type<tc>, window_params = [{pipeline_mode = #tpu.pipeline_mode<synchronous>, transform_indices = @transform_0, window_bounds = array<i64: 51, 51>}, {transform_indices = @transform_1, window_bounds = array<i64: 4096, 51>}, {transform_indices = @transform_2, window_bounds = array<i64: 4096, 51>}, {pipeline_mode = #tpu.pipeline_mode<synchronous>, transform_indices = @transform_3, window_bounds = array<i64: 1, 1>}]} {
    %get3A = arith.constant 0 : index
    %get3A_0 = arith.constant 0 : index
    %get3A_1 = vector.load %arg3[%get3A, %get3A_0] : memref<4096x51xf32, #tpu.memory_space<vmem>>, vector<4096x51xf32>
    %add3A = arith.constant 1.000000e-16 : f32
    %add3A_2 = vector.broadcast %add3A : f32 to vector<4096x51xf32>
    %add3A_3 = arith.addf %get3A_1, %add3A_2 : vector<4096x51xf32>
    %log3A = math.log %add3A_3 : vector<4096x51xf32>
    %get3A_4 = arith.constant 0 : index
    %get3A_5 = arith.constant 0 : index
    %get3A_6 = vector.load %arg2[%get3A_4, %get3A_5] : memref<4096x51xf32, #tpu.memory_space<vmem>>, vector<4096x51xf32>
    %get3A_7 = arith.constant 0 : index
    %get3A_8 = arith.constant 0 : index
    %get3A_9 = vector.load %arg1[%get3A_7, %get3A_8] : memref<51x51xf32, #tpu.memory_space<vmem>>, vector<51x51xf32>
    %dot_general3A = arith.constant dense<0.000000e+00> : vector<4096x51xf32>
    %dot_general3A_10 = tpu.matmul %get3A_6, %get3A_9, %dot_general3A {dimension_numbers = #tpu.dot_dimension_numbers<[1], [0], [0], [1], [0, 0, 1, 1], [], []>, transpose_lhs_hint = false} : vector<4096x51xf32>, vector<51x51xf32>, vector<4096x51xf32> -> vector<4096x51xf32>
    %mul3A = arith.mulf %dot_general3A_10, %log3A : vector<4096x51xf32>
    %reduce_sum3A = vector.shape_cast %mul3A : vector<4096x51xf32> to vector<1x4096x51xf32>
    %reduce_sum3A_11 = arith.constant dense<0.000000e+00> : vector<1xf32>
    %reduce_sum3A_12 = vector.multi_reduction <add>, %reduce_sum3A, %reduce_sum3A_11 [1, 2] : vector<1x4096x51xf32> to vector<1xf32>
    %reduce_sum3A_13 = vector.shape_cast %reduce_sum3A_12 : vector<1xf32> to vector<1x1x1xf32>
    %reduce_sum3A_14 = vector.extract %reduce_sum3A_13[0, 0, 0] : f32 from vector<1x1x1xf32>
    %broadcast_in_dim3A = vector.broadcast %reduce_sum3A_14 : f32 to vector<1x1xf32>
    %eq3A = arith.constant 0 : i32
    %eq3A_15 = arith.cmpi eq, %arg0, %eq3A : i32
    %convert_element_type3A = arith.extui %eq3A_15 : i1 to i32
    %cond3A = arith.constant 0 : i32
    %cond3A_16 = arith.cmpi ne, %convert_element_type3A, %cond3A : i32
    scf.if %cond3A_16 {
      %swap3A = arith.constant 0 : index
      %swap3A_21 = arith.constant 0 : index
      %swap3A_22 = vector.load %arg4[%swap3A, %swap3A_21] : memref<1x1xf32, #tpu.memory_space<vmem>>, vector<1x1xf32>
      tpu.vector_store %arg4[%swap3A, %swap3A_21], %broadcast_in_dim3A {strides = array<i32>} : memref<1x1xf32, #tpu.memory_space<vmem>>, vector<1x1xf32>,
    } else {
    }
    %ne3A = arith.constant 0 : i32
    %ne3A_17 = arith.cmpi ne, %arg0, %ne3A : i32
    %convert_element_type3A_18 = arith.extui %ne3A_17 : i1 to i32
    %cond3A_19 = arith.constant 0 : i32
    %cond3A_20 = arith.cmpi ne, %convert_element_type3A_18, %cond3A_19 : i32
    scf.if %cond3A_20 {
      %get3A_21 = arith.constant 0 : index
      %get3A_22 = arith.constant 0 : index
      %get3A_23 = vector.load %arg4[%get3A_21, %get3A_22] : memref<1x1xf32, #tpu.memory_space<vmem>>, vector<1x1xf32>
      %add3A_24 = arith.addf %get3A_23, %broadcast_in_dim3A : vector<1x1xf32>
      %swap3A = arith.constant 0 : index
      %swap3A_25 = arith.constant 0 : index
      %swap3A_26 = vector.load %arg4[%swap3A, %swap3A_25] : memref<1x1xf32, #tpu.memory_space<vmem>>, vector<1x1xf32>
      tpu.vector_store %arg4[%swap3A, %swap3A_25], %add3A_24 {strides = array<i32>} : memref<1x1xf32, #tpu.memory_space<vmem>>, vector<1x1xf32>,
    } else {
    }
    return
  }
  func.func @transform_0(%arg0: i32) -> (i32, i32) {
    %c0_i32 = arith.constant 0 : i32
    %c0_i32_0 = arith.constant 0 : i32
    %c0_i32_1 = arith.constant 0 : i32
    return %c0_i32, %c0_i32_0 : i32, i32
  }
  func.func @transform_1(%arg0: i32) -> (i32, i32) {
    %c0_i32 = arith.constant 0 : i32
    %c0_i32_0 = arith.constant 0 : i32
    return %arg0, %c0_i32 : i32, i32
  }
  func.func @transform_2(%arg0: i32) -> (i32, i32) {
    %c0_i32 = arith.constant 0 : i32
    %c0_i32_0 = arith.constant 0 : i32
    return %arg0, %c0_i32 : i32, i32
  }
  func.func @transform_3(%arg0: i32) -> (i32, i32) {
    %c0_i32 = arith.constant 0 : i32
    %c0_i32_0 = arith.constant 0 : i32
    %c0_i32_1 = arith.constant 0 : i32
    return %c0_i32, %c0_i32_0 : i32, i32
  }
}

</mosaic_0001>

<sc_bundles>
// kernel: kernel.4.cloned.1.call-start
scs
__scs_entry_jumppad:
0x0: {  	(pc) =	sbr.rel $0x88, $3  }
0x1: {  	(tag) =	ssettag $0x0;
	lr =	simm.s32 $0x1  }
0x2: {  	[smem:$0x3F9F] =	sst lr;
	_ =	strace $0xD0000000  }
0x3: {  	_ = 	snop  }
0x4: {  	_ = 	snop  }
0x5: {  	_ = 	snop  }
0x6: {  	_ = 	snop  }
0x7: {  	_ = 	snop  }
__scs_overlays_trampoline_lowered:
0x8: {  	[smem:$0x3FAE] =	sst s0  }
0x9: {  	[smem:$0x3FAF] =	sst s1  }
0xa: {  	[smem:$0x3FB0] =	sst s2  }
0xb: {  	[smem:$0x3FB1] =	sst s3  }
0xc: {  	[smem:$0x3FB2] =	sst s4  }
0xd: {  	[smem:$0x3FB3] =	sst s5  }
0xe: {  	[smem:$0x3FB4] =	sst s6  }
0xf: {  	[smem:$0x3FB5] =	sst s7  }
0x10: {  	[smem:$0x3FB6] =	sst s8  }
0x11: {  	[smem:$0x3FB7] =	sst s9;
	s0 =	simm.s32 @!p0 $0x0  }
0x12: {  	s1 =	sld [smem:$0x3F9D];
	s0 =	simm.s32 @p0 $0x1  }
0x13: {  	[smem:$0x3FB8] =	sst s0;
	s0 =	simm.s32 @!p1 $0x0  }
0x14: {  	s2 =	sld [smem:$0x3F9C];
	s0 =	simm.s32 @p1 $0x1  }
0x15: {  	[smem:$0x3FB9] =	sst s0;
	s0 =	simm.s32 @!p2 $0x0  }
0x16: {  	s3 =	sld [smem:$0x3FDB];
	s0 =	simm.s32 @p2 $0x1  }
0x17: {  	s4 =	simm.s32 $0x1BF5;
	[smem:$0x3FBB] =	sst s0  }
0x18: {  	s0 =	sld [smem:$0x3F9E];
	_ =	swait.ge [sflag:s4], $0x0  }
0x19: {  	s7 =	sld [smem:$0x3F9F]  }
0x1a: {  	s8 =	sadd.s32 $0xFFFFE003, lr  }
0x1b: {  	s9 =	sadd.s32 $0xFFFFFEF7, lr;
	s5 =	simm.s32 $0xFFFFFFFF;
	p2 =	slt.u32 s8, $0xFFFFF086  }
0x1c: {  	p1 =	slt.u32 s9, $0xF7A;
	s5 =	simm.s32 @!p2 $0x0  }
0x1d: {  	s5 =	simm.s32 @p1 $0x1;
	p0 =	seq.s32 s7, s2  }
0x1e: {  	s7 =	smul.u32 @!p0 $0xF7A, s2;
	p2 =	seq.s32 @!p0 s5, $0x0  }
0x1f: {  	s9 =	smul.u32 $0xF7A, s1;
	s8 =	simm.s32 @!p0 $0x1BF5;
	p2 =	por !p2, p0  }
0x20: {  	[sflag:s8] =	ssyncset.s32 @!p0 $0xFFFFF086;
	s6 =	sadd.s32 @!p0 s3, s7;
	s7 =	simm.s32 @!p0 $0x108  }
0x21: {  	s3 =	sadd.s32 s3, s9;
	s6 =	sadd.s32 @!p0 $0x88, s6;
	s7 =	simm.s32 @p2 $0x1082  }
0x22: {  	[simem:s7], [sflag:s8] =	dma.local @!p0 [hbm:s6], $0xF7A  }
0x23: {  	s9 =	sor.u32 $0xD0000000, s2;
	s6 =	simm.s32 $0x108;
	_ =	swait.ge @!p0 [sflag:s8], $0x0  }
0x24: {  	s3 =	sadd.s32 $0x88, s3;
	s6 =	simm.s32 @!p1 $0x1082;
	[sflag:s4] =	ssyncset.s32 $0xFFFFF086  }
0x25: {  	[simem:s6], [sflag:s4] =	dma.local [hbm:s3], $0xF7A  }
0x26: {  	[smem:$0x3F9F] =	sst s1;
	(tag) =	ssettag s2;
	_ =	strace s9  }
0x27: {  	s1 =	sld [smem:$0x3FAF]  }
0x28: {  	s2 =	sld [smem:$0x3FB0]  }
0x29: {  	s4 =	sld [smem:$0x3FB2]  }
0x2a: {  	p0 =	seq.s32 s5, $0x0;
	s5 =	sld [smem:$0x3FB3]  }
0x2b: {  	s6 =	sld [smem:$0x3FB4]  }
0x2c: {  	s7 =	sld [smem:$0x3FB5]  }
0x2d: {  	s3 =	simm.s32 $0x108;
	s8 =	sld [smem:$0x3FB6]  }
0x2e: {  	s3 =	simm.s32 @!p0 $0x1082;
	s9 =	sld [smem:$0x3FB7]  }
0x2f: {  	lr =	sadd.s32 s0, s3;
	s0 =	sld [smem:$0x3FAE]  }
0x30: {  	s3 =	sld [smem:$0x3FB1]  }
0x31: {  	[smem:$0x3FBA] =	sst s10  }
0x32: {  	s10 =	sld [smem:$0x3FB8];
	_ =	sdelay $0x3  }
0x33: {  	p0 =	seq.s32 s10, $0x1;
	s10 =	sld [smem:$0x3FBA];
	_ =	sdelay $0x3  }
0x34: {  	[smem:$0x3FBA] =	sst s10  }
0x35: {  	s10 =	sld [smem:$0x3FB9];
	_ =	sdelay $0x3  }
0x36: {  	p1 =	seq.s32 s10, $0x1;
	s10 =	sld [smem:$0x3FBA];
	_ =	sdelay $0x3  }
0x37: {  	[smem:$0x3FBA] =	sst s10  }
0x38: {  	s10 =	sld [smem:$0x3FBB]  }
0x39: {  	_ = 	snop;
	(pc) =	sbr.ind lr, $3  }
0x3a: {  	_ = 	snop  }
0x3b: {  	_ = 	snop  }
0x3c: {  	p2 =	seq.s32 s10, $0x1;
	s10 =	sld [smem:$0x3FBA]  }
0x3d: {  	_ =	shalt  }
0x3e: {  	_ =	shalt  }
0x3f: {  	_ =	shalt  }
0x40: {  	_ =	shalt  }
0x41: {  	_ =	shalt  }
0x42: {  	_ =	shalt  }
0x43: {  	_ =	shalt  }
0x44: {  	_ =	shalt  }
0x45: {  	_ =	shalt  }
0x46: {  	_ =	shalt  }
0x47: {  	_ =	shalt  }
0x48: {  	_ =	shalt  }
0x49: {  	_ =	shalt  }
0x4a: {  	_ =	shalt  }
0x4b: {  	_ =	shalt  }
0x4c: {  	_ =	shalt  }
0x4d: {  	_ =	shalt  }
0x4e: {  	_ =	shalt  }
0x4f: {  	_ =	shalt  }
0x50: {  	_ =	shalt  }
0x51: {  	_ =	shalt  }
0x52: {  	_ =	shalt  }
0x53: {  	_ =	shalt  }
0x54: {  	_ =	shalt  }
0x55: {  	_ =	shalt  }
0x56: {  	_ =	shalt  }
0x57: {  	_ =	shalt  }
0x58: {  	_ =	shalt  }
0x59: {  	_ =	shalt  }
0x5a: {  	_ =	shalt  }
0x5b: {  	_ =	shalt  }
0x5c: {  	_ =	shalt  }
0x5d: {  	_ =	shalt  }
0x5e: {  	_ =	shalt  }
0x5f: {  	_ =	shalt  }
0x60: {  	_ =	shalt  }
0x61: {  	_ =	shalt  }
0x62: {  	_ =	shalt  }
0x63: {  	_ =	shalt  }
0x64: {  	_ =	shalt  }
0x65: {  	_ =	shalt  }
0x66: {  	_ =	shalt  }
0x67: {  	_ =	shalt  }
0x68: {  	_ =	shalt  }
0x69: {  	_ =	shalt  }
0x6a: {  	_ =	shalt  }
0x6b: {  	_ =	shalt  }
0x6c: {  	_ =	shalt  }
0x6d: {  	_ =	shalt  }
0x6e: {  	_ =	shalt  }
0x6f: {  	_ =	shalt  }
0x70: {  	_ =	shalt  }
0x71: {  	_ =	shalt  }
0x72: {  	_ =	shalt  }
0x73: {  	_ =	shalt  }
0x74: {  	_ =	shalt  }
0x75: {  	_ =	shalt  }
0x76: {  	_ =	shalt  }
0x77: {  	_ =	shalt  }
0x78: {  	_ =	shalt  }
0x79: {  	_ =	shalt  }
0x7a: {  	_ =	shalt  }
0x7b: {  	_ =	shalt  }
0x7c: {  	_ =	shalt  }
0x7d: {  	_ =	shalt  }
0x7e: {  	_ =	shalt  }
0x7f: {  	_ =	shalt  }
0x80: {  	_ =	shalt  }
0x81: {  	_ =	shalt  }
0x82: {  	_ =	shalt  }
0x83: {  	_ =	shalt  }
0x84: {  	_ =	shalt  }
0x85: {  	_ =	shalt  }
0x86: {  	_ =	shalt  }
0x87: {  	_ =	shalt  }
.Lfunc_end0:
.L_simem_size_0:
called_computation_lowered:
.L_overlay_start_0:
0x88: {  	s2 =	sld [smem:$0x3FD9]  }
0x89: {  	s3 =	sld [smem:$0x3FFE];
	_ =	sdelay $0x1  }
0x8a: {  	s1 =	srdreg.scid  }
0x8b: {  	s0 =	sand.u32 $0x1, s1  }
0x8c: {  	s16 =	sshll.u32 s0, $0xA;
	s2 =	sadd.s32 s3, s2  }
0x8d: {  	s2 =	sadd.s32 s2, s16  }
0x8e: {  	[smem:$0x3FC6] =	sst s2  }
0x8f: {  	_ = 	snop  }
0x90: {  	(tm) =	ssettm $0x1  }
0x91: {  	s17 =	sld [smem:$0x3FFB];
	_ =	sdelay $0x3  }
0x92: {  	_ =	strace s17  }
0x93: {  	s2 =	sld [smem:$0x3FFC];
	_ =	sdelay $0x3  }
0x94: {  	_ =	strace s2  }
0x95: {  	s2 =	sld [smem:$0x3FFD];
	_ =	sdelay $0x3  }
0x96: {  	_ =	strace s2  }
0x97: {  	_ =	strace $0x8FFFFFFF  }
0x98: {  	s18 =	sld [smem:$0x3FDB];
	_ =	sdelay $0x1  }
0x99: {  	s19 =	simm.s32 $_scs_section_size  }
0x9a: {  	s4 =	simm.s32 $_size__tile_overlayer_lowered;
	s5 =	simm.s32 $_tile_overlayer_lowered  }
0x9b: {  	s22 =	simm.s32 $0x1BFF;
	s21 =	sshll.u32 s5, $0x1;
	s2 =	sadd.s32 s19, s18  }
0x9c: {  	s6 =	simm.s32 $0x0;
	s20 =	sshll.u32 s4, $0x1;
	s4 =	sadd.s32 s21, s2  }
0x9d: {  	[timem:s6], [sflag:s22] =	dma.local [hbm:s4], s20  }
0x9e: {  	_ =	swait.ge [sflag:s22], s20  }
0x9f: {  	s3 =	ssub.s32 $0x0, s20;
	[sflag:s22] =	ssyncset.done $0x0  }
0xa0: {  	[sflag:s22] =	ssyncadd.s32 s3;
	_ =	sdelay $0x1  }
0xa1: {  	s23 =	simm.s32 $0x1B8B  }
0xa2: {  	_ =	swait.ge [sflag:s23], $0x1  }
0xa3: {  	[sflag:s23] =	ssyncset.done $0x0  }
0xa4: {  	s25 =	simm.s32 $0x1B8E;
	s24 =	sld [smem:$0x3FFE];
	[sflag:s23] =	ssyncadd.s32 $0xFFFFFFFF  }
0xa5: {  	s26 =	simm.s32 $execute0_lowered;
	[smem:$0x3FD2] =	sst s25  }
0xa6: {  	s4 =	sshll.u32 s26, $0x1;
	_ =	strace $0x80000046;
	[dreg:$0x1] =	wrdreg $0xFFFFFFFF  }
0xa7: {  	s28 =	simm.s32 $_size_execute0_lowered;
	s2 =	sadd.s32 s2, s4;
	[dreg:$0x0] =	wrdreg $0x0  }
0xa8: {  	s4 =	sshll.u32 s28, $0x1;
	[dreg:$0x2] =	wrdreg s2  }
0xa9: {  	[dreg:$0x3] =	wrdreg s4  }
0xaa: {  	[dreg:$0x4] =	wrdreg $0xC0  }
0xab: {  	_ =	task [dreg:s6], $0x5FFFF  }
0xac: {  	[dreg:$0x1] =	wrdreg $0xFFFFFFFF  }
0xad: {  	[dreg:$0x0] =	wrdreg $0x60  }
0xae: {  	[dreg:$0x2] =	wrdreg s24  }
0xaf: {  	[dreg:$0x3] =	wrdreg $0x9  }
0xb0: {  	_ =	task.clear_ibuf [dreg:s6], $0x4FFFF;
	_ =	strace $0x90000046  }
0xb1: {  	s29 =	simm.s32 $0x9;
	_ =	strace $0x80000048  }
0xb2: {  	_ =	swait.ge [sflag:s29], $0x1  }
0xb3: {  	[sflag:s29] =	ssyncadd.s32 $0xFFFFFFFF  }
0xb4: {  	_ =	strace $0x90000048  }
0xb5: {  	_ =	sfence  }
0xb6: {  	s30 =	sld [smem:$0x0];
	_ =	sdelay $0x2  }
0xb7: {  	s31 =	sshll.u32 s1, $0xD;
	s1 =	sshrl.u32 s1, $0x2  }
0xb8: {  	s3 =	sand.u32 $0x4000, s31;
	s1 =	sadd.s32 s1, s30  }
0xb9: {  	s0 =	sor.u32 s3, s0;
	s1 =	sshll.u32 s1, $0x11  }
0xba: {  	s0 =	sor.u32 s1, s0  }
0xbb: {  	s0 =	sadd.s32 $0x8F2B, s0  }
0xbc: {  	[sflag:s0] =	ssyncadd.remote.s32 $0x1  }
0xbd: {  	_ =	sfence.sel $0xFFFF  }
0xbe: {  	[dreg:$0x0] =	wrdreg $0xFFFFFFFF;
	(pc) =	sbr.abs _section_cstart, $3  }
0xbf: {  	[dreg:$0x1] =	wrdreg $0xFFFFFFFF  }
0xc0: {  	_ =	task.clear_ibuf [dreg:s6], $0x2FFFF;
	_ =	strace $0x9FFFFFFF  }
0xc1: {  	(tm) =	ssettm $0x7FFFFFFF  }
tec
execute0_lowered:
.L_overlay_start_1:
0x0: {  	(tag) =	ssettag $0x1  }
0x1: {  	s3 =	rddreg [dreg:$0x0]  }
0x2: {  	s0 =	rddreg [dreg:$0x1];
	s2 =	simm.s32 $0x0;
	s4 =	srdreg.scid  }
0x3: {  	s1 =	stileid.u32;
	s8 =	simm.s32 $0x8000;
	s9 =	simm.s32 $0x10000  }
0x4: {  	[smem:$0x7FF] =	sst s2;
	s4 =	sand.u32 $0x1, s4;
	s5 =	sshll.u32 s1, $0x1  }
0x5: {  	s10 =	simm.s32 $0x0;
	_ =	strace $0x80000047;
	s5 =	sor.u32 s4, s5  }
0x6: {  	s4 =	ssub.s32 $0x2, s4;
	s6 =	sshll.u32 s5, $0xC;
	s5 =	sshll.u32 s5, $0x4  }
0x7: {  	s31 =	sshrl.u32 s4, $0x1;
	s6 =	sadd.s32 s6, s3;
	s5 =	sadd.s32 s5, s3  }
0x8: {  	s7 =	ssub.s32 s4, s31;
	s3 =	sadd.s32 $0x20E00, s6;
	s4 =	sadd.s32 $0x60E00, s6  }
0x9: {  	v0 =	vimm.s32 $0xFFFFFF81;
	vm0 =	vmmov $0x1fff;
	s5 =	sadd.s32 $0x80E00, s5;
	s6 =	smax.u32 s7, $0x1;
	s7 =	simm.s32 $0x1  }
.LBB2_1:
0xa: {  	[tilespmem:s2], [sflag:$0x1] =	stream.linear.gather [hbm4b:s3+s2], $0x8000, $0x38;
	[tilespmem:$0x10080] =	vst v63  }
0xb: {  	_ =	swait.ge [sflag:s7], $0x8000  }
0xc: {  	[sflag:s7] =	ssyncset.done $0x0  }
0xd: {  	[sflag:s7] =	ssyncadd.s32 $0xFFFF8000  }
0xe: {  	[tilespmem:s8], [sflag:$0x1] =	stream.linear.gather [hbm4b:s4+s2], $0x8000, $0x38;
	[tilespmem:$0x10080] =	vst v63  }
0xf: {  	_ =	swait.ge [sflag:s7], $0x8000  }
0x10: {  	[sflag:s7] =	ssyncset.done $0x0  }
0x11: {  	s12 =	simm.s32 $0x0;
	[sflag:s7] =	ssyncadd.s32 $0xFFFF8000  }
0x12: {  	v1 =	vld [tilespmem:s12+$0x8020];
	_ =	sdelay $0x2  }
0x13: {  	v2 =	vld [tilespmem:s12+$0x8023]  }
0x14: {  	v3 =	vld [tilespmem:s12+$0x8010]  }
0x15: {  	v4 =	vld [tilespmem:s12+$0x8000];
	v1 =	vadd.f32 $1.000000020e-16, v1;
	_ =	sdelay $0x1  }
0x16: {  	v5 =	vand.u32 $0x7FFFFF, v1  }
0x17: {  	v5 =	vor.u32 $0x3F800000, v5  }
0x18: {  	v2 =	vadd.f32 $1.000000020e-16, v2;
	v3 =	vadd.f32 $1.000000020e-16, v3;
	v6 =	vmul.f32 $5.000000000e-01, v5  }
0x19: {  	v7 =	vadd.f32 $1.000000020e-16, v4;
	vm2 =	vgt.f32 v5, $1.414213540e+00  }
0x1a: {  	v4 =	vand.u32 $0x7FFFFF, v2;
	v5 =	vsel vm2, v6, v5;
	v6 =	vand.u32 $0x7FFFFF, v3  }
0x1b: {  	v8 =	vand.u32 $0x7FFFFF, v7;
	v9 =	vadd.f32 $1.000000000e+00, v5;
	v6 =	vor.u32 $0x3F800000, v6  }
0x1c: {  	v8 =	vor.u32 $0x3F800000, v8;
	v4 =	vor.u32 $0x3F800000, v4;
	v10 =	vmul.f32 $5.000000000e-01, v6  }
0x1d: {  	vm3 =	vgt.f32 v6, $1.414213540e+00;
	(erf) = vrcp.f32 v9;
	v9 =	vmul.f32 $5.000000000e-01, v4  }
0x1e: {  	v11 =	vmul.f32 $5.000000000e-01, v8;
	vm4 =	vgt.f32 v4, $1.414213540e+00;
	v6 =	vsel vm3, v10, v6  }
0x1f: {  	vm1 =	vgt.f32 v8, $1.414213540e+00;
	v10 =	vadd.f32 $1.000000000e+00, v6;
	v9 =	vsel vm4, v9, v4  }
0x20: {  	v8 =	vsel vm1, v11, v8;
	v4 =	vadd.f32 $1.000000000e+00, v9  }
0x21: {  	v11 =	vadd.f32 $1.000000000e+00, v8;
	(erf) = vrcp.f32 v10  }
0x22: {  	v2 =	vshra.s32 v2, $0x17;
	v1 =	vshra.s32 v1, $0x17;
	(erf) = vrcp.f32 v4  }
0x23: {  	v7 =	vshra.s32 v7, $0x17;
	v12 =	vsel vm2, $0xFFFFFF82, v0;
	(erf) = vrcp.f32 v11  }
0x24: {  	v13 =	vsel vm4, $0xFFFFFF82, v0;
	v3 =	vshra.s32 v3, $0x17;
	v11 =	vsel vm3, $0xFFFFFF82, v0  }
0x25: {  	v15 =	vsel vm1, $0xFFFFFF82, v0;
	v5 =	vadd.f32 $-1.000000000e+00, v5;
	v3 =	vadd.s32 v3, v11  }
0x26: {  	s11 =	simm.s32 $0x80;
	v1 =	vadd.s32 v1, v12;
	v7 =	vadd.s32 v7, v15;
	v3 =	vcvt.s32.f32 v3;
	v10 =	vpop (erf)  }
0x27: {  	v16 =	vld [tilespmem:s11+$0x8020];
	v1 =	vcvt.s32.f32 v1;
	v6 =	vadd.f32 $-1.000000000e+00, v6;
	v5 =	vmul.f32 v10, v5  }
0x28: {  	v2 =	vadd.s32 v2, v13;
	v7 =	vcvt.s32.f32 v7;
	v19 =	vmul.f32 $6.931471820e-01, v3;
	v3 =	vld [tilespmem:s11+$0x8010]  }
0x29: {  	v2 =	vcvt.s32.f32 v2;
	v10 =	vmul.f32 v5, v5  }
0x2a: {  	v20 =	vmul.f32 $6.931471820e-01, v1;
	v7 =	vmul.f32 $6.931471820e-01, v7;
	v9 =	vadd.f32 $-1.000000000e+00, v9;
	v11 =	vpop (erf)  }
0x2b: {  	v8 =	vadd.f32 $-1.000000000e+00, v8;
	v14 =	vmul.f32 $2.857142980e-01, v10;
	v11 =	vmul.f32 v11, v6;
	v6 =	vpop (erf)  }
0x2c: {  	v61 =	vmul.f32 $6.931471820e-01, v2;
	v12 =	vpop (erf);
	v9 =	vmul.f32 v6, v9;
	v6 =	vadd.f32 $1.000000020e-16, v16  }
0x2d: {  	v3 =	vadd.f32 $1.000000020e-16, v3;
	v13 =	vadd.f32 $4.000000060e-01, v14;
	v8 =	vmul.f32 v12, v8  }
0x2e: {  	v14 =	vld [tilespmem:s11+$0x8023];
	v12 =	vmul.f32 v11, v11;
	v21 =	vshra.s32 v6, $0x17;
	v6 =	vand.u32 $0x7FFFFF, v6  }
0x2f: {  	v23 =	vmul.f32 v9, v9;
	v24 =	vshra.s32 v3, $0x17;
	v3 =	vand.u32 $0x7FFFFF, v3  }
0x30: {  	v15 =	vld [tilespmem:s11+$0x8000];
	v17 =	vmul.f32 v8, v8;
	v18 =	vmul.f32 $2.857142980e-01, v12;
	v6 =	vor.u32 $0x3F800000, v6  }
0x31: {  	v13 =	vmul.f32 v13, v10;
	v3 =	vor.u32 $0x3F800000, v3;
	vm2 =	vgt.f32 v6, $1.414213540e+00  }
0x32: {  	v25 =	vmul.f32 $5.000000000e-01, v6;
	vm3 =	vgt.f32 v3, $1.414213540e+00;
	v1 =	vmul.f32 $2.857142980e-01, v17  }
0x33: {  	v60 =	vmul.f32 $5.000000000e-01, v3;
	v18 =	vadd.f32 $4.000000060e-01, v18;
	v14 =	vadd.f32 $1.000000020e-16, v14  }
0x34: {  	v25 =	vsel vm2, v25, v6;
	v6 =	vadd.f32 $6.666666860e-01, v13;
	v16 =	vadd.f32 $4.000000060e-01, v1  }
0x35: {  	v13 =	vmul.f32 $2.857142980e-01, v23;
	v18 =	vmul.f32 v18, v12;
	v1 =	vadd.f32 $1.000000020e-16, v15  }
0x36: {  	v59 =	vadd.f32 $1.000000000e+00, v25;
	v15 =	vshra.s32 v14, $0x17;
	v16 =	vmul.f32 v16, v17  }
0x37: {  	v14 =	vand.u32 $0x7FFFFF, v14;
	v6 =	vmul.f32 v6, v10;
	v13 =	vadd.f32 $4.000000060e-01, v13  }
0x38: {  	v22 =	vand.u32 $0x7FFFFF, v1;
	v14 =	vor.u32 $0x3F800000, v14;
	v16 =	vadd.f32 $6.666666860e-01, v16  }
0x39: {  	(erf) = vrcp.f32 v59;
	v22 =	vor.u32 $0x3F800000, v22;
	v6 =	vadd.f32 $2.000000000e+00, v6  }
0x3a: {  	v26 =	vmul.f32 $5.000000000e-01, v22;
	v16 =	vmul.f32 v16, v17;
	v17 =	vadd.f32 $6.666666860e-01, v18  }
0x3b: {  	v13 =	vmul.f32 v13, v23;
	vm15 =	vgt.f32 v14, $1.414213540e+00;
	vm1 =	vgt.f32 v22, $1.414213540e+00  }
0x3c: {  	v22 =	vsel vm1, v26, v22;
	v12 =	vmul.f32 v17, v12;
	v17 =	vmul.f32 $5.000000000e-01, v14  }
0x3d: {  	v18 =	vsel vm3, v60, v3;
	v3 =	vmul.f32 v6, v5;
	v10 =	vadd.f32 $1.000000000e+00, v22  }
0x3e: {  	v5 =	vadd.f32 $1.000000000e+00, v18;
	v16 =	vadd.f32 $2.000000000e+00, v16;
	v6 =	vsel vm15, v17, v14  }
0x3f: {  	v4 =	vimm.f32 $0.0e+00;
	v13 =	vadd.f32 $6.666666860e-01, v13;
	v14 =	vadd.f32 $1.000000000e+00, v6  }
0x40: {  	(erf) = vrcp.f32 v5;
	v8 =	vmul.f32 v16, v8;
	v5 =	vadd.f32 $2.000000000e+00, v12  }
0x41: {  	v12 =	vadd.f32 v3, v20;
	v16 =	vld [tilespmem:s12+$0x0];
	v3 =	vadd.f32 $-1.000000000e+00, v25;
	(erf) = vrcp.f32 v14  }
0x42: {  	v62 =	vld [tilespmem:s12+$0x20];
	v13 =	vmul.f32 v13, v23;
	v14 =	vsel vm2, $0xFFFFFF82, v0;
	(erf) = vrcp.f32 v10;
	v10 =	vpop (erf)  }
0x43: {  	v17 =	vld [tilespmem:s12+$0x10];
	v8 =	vadd.f32 v8, v7;
	v7 =	vadd.s32 v21, v14;
	v2 =	vmul.f32 v10, v3  }
0x44: {  	v3 =	vsel vm15, $0xFFFFFF82, v0;
	v10 =	vmul.f32 v5, v11;
	v11 =	vadd.f32 $2.000000000e+00, v13  }
0x45: {  	v14 =	vsel vm3, $0xFFFFFF82, v0;
	v13 =	vld [tilespmem:s12+$0x23];
	v3 =	vadd.s32 v15, v3;
	v5 =	vmul.f32 v2, v2  }
0x46: {  	v15 =	vmul.f32 v8, v16;
	v10 =	vadd.f32 v10, v19;
	v9 =	vmul.f32 v11, v9  }
0x47: {  	v14 =	vadd.s32 v24, v14;
	v8 =	vmul.f32 v12, v62;
	v16 =	vmul.f32 $2.857142980e-01, v5  }
0x48: {  	v11 =	vmul.f32 v10, v17;
	v17 =	vadd.f32 $-1.000000000e+00, v18;
	v63 =	vadd.f32 v9, v61  }
0x49: {  	v12 =	vpop (erf);
	v10 =	vcvt.s32.f32 v14;
	v14 =	vadd.f32 v15, v4;
	v15 =	vadd.f32 $-1.000000000e+00, v22  }
0x4a: {  	s12 =	simm.s32 $0x400;
	v9 =	vadd.f32 $4.000000060e-01, v16;
	v4 =	vmul.f32 v12, v17;
	v13 =	vmul.f32 v63, v13;
	v12 =	vpop (erf)  }
.LBB2_2:
0x4b: {  	s13 =	sshra.s32 s12, $0x2;
	p0 =	sne.s32 s12, $0x1FE00;
	s12 =	sadd.s32 $0x200, s12;
	v1 =	vshra.s32 v1, $0x17;
	v16 =	vsel vm1, $0xFFFFFF82, v0;
	v17 =	vpop (erf);
	v11 =	vadd.f32 v11, v14  }
0x4c: {  	v14 =	vld [tilespmem:s13+$0x8023];
	v15 =	vmul.f32 v17, v15;
	v17 =	vmul.f32 v4, v4;
	v13 =	vsel vm0, $0x0, v13  }
0x4d: {  	v10 =	vmul.f32 $6.931471820e-01, v10;
	v7 =	vcvt.s32.f32 v7;
	v1 =	vadd.s32 v1, v16;
	v18 =	vld [tilespmem:s13+$0x8020]  }
0x4e: {  	v8 =	vadd.f32 v8, v11;
	v16 =	vld [tilespmem:s13+$0x8000];
	v19 =	vmul.f32 v15, v15;
	v20 =	vmul.f32 $2.857142980e-01, v17  }
0x4f: {  	v6 =	vadd.f32 $-1.000000000e+00, v6;
	v1 =	vcvt.s32.f32 v1;
	v7 =	vmul.f32 $6.931471820e-01, v7;
	v11 =	vld [tilespmem:s13+$0x8010]  }
0x50: {  	v13 =	vadd.f32 v13, v8;
	v21 =	vmul.f32 $2.857142980e-01, v19;
	v20 =	vadd.f32 $4.000000060e-01, v20  }
0x51: {  	v12 =	vmul.f32 v12, v6;
	v8 =	vadd.f32 $1.000000020e-16, v14;
	v14 =	vmul.f32 $6.931471820e-01, v1  }
0x52: {  	v6 =	vadd.f32 $1.000000020e-16, v18;
	v18 =	vadd.f32 $4.000000060e-01, v21;
	v20 =	vmul.f32 v20, v17  }
0x53: {  	v9 =	vmul.f32 v9, v5;
	v1 =	vadd.f32 $1.000000020e-16, v16;
	v16 =	vshra.s32 v8, $0x17  }
0x54: {  	v8 =	vand.u32 $0x7FFFFF, v8;
	v11 =	vadd.f32 $1.000000020e-16, v11;
	v21 =	vshra.s32 v6, $0x17  }
0x55: {  	v23 =	vmul.f32 v12, v12;
	v6 =	vand.u32 $0x7FFFFF, v6;
	v22 =	vand.u32 $0x7FFFFF, v1  }
0x56: {  	v18 =	vmul.f32 v18, v19;
	v6 =	vor.u32 $0x3F800000, v6;
	v22 =	vor.u32 $0x3F800000, v22  }
0x57: {  	v24 =	vshra.s32 v11, $0x17;
	vm2 =	vgt.f32 v6, $1.414213540e+00;
	v25 =	vmul.f32 $5.000000000e-01, v6  }
0x58: {  	v18 =	vadd.f32 $6.666666860e-01, v18;
	vm1 =	vgt.f32 v22, $1.414213540e+00;
	v26 =	vmul.f32 $5.000000000e-01, v22  }
0x59: {  	v25 =	vsel vm2, v25, v6;
	v6 =	vadd.f32 $6.666666860e-01, v9;
	v9 =	vmul.f32 $2.857142980e-01, v23  }
0x5a: {  	v18 =	vmul.f32 v18, v19;
	v22 =	vsel vm1, v26, v22;
	v26 =	vadd.f32 $1.000000000e+00, v25  }
0x5b: {  	v11 =	vand.u32 $0x7FFFFF, v11;
	v19 =	vadd.f32 $6.666666860e-01, v20;
	v5 =	vmul.f32 v6, v5  }
0x5c: {  	v20 =	vadd.f32 $1.000000000e+00, v22;
	v6 =	vor.u32 $0x3F800000, v8;
	(erf) = vrcp.f32 v26  }
0x5d: {  	v8 =	vor.u32 $0x3F800000, v11;
	v9 =	vadd.f32 $4.000000060e-01, v9;
	v5 =	vadd.f32 $2.000000000e+00, v5  }
0x5e: {  	v17 =	vmul.f32 v19, v17;
	vm3 =	vgt.f32 v8, $1.414213540e+00;
	v11 =	vmul.f32 $5.000000000e-01, v8  }
0x5f: {  	v18 =	vadd.f32 $2.000000000e+00, v18;
	v19 =	vmul.f32 $5.000000000e-01, v6;
	v9 =	vmul.f32 v9, v23  }
0x60: {  	vm4 =	vgt.f32 v6, $1.414213540e+00;
	v8 =	vsel vm3, v11, v8;
	v2 =	vmul.f32 v5, v2  }
0x61: {  	v6 =	vsel vm4, v19, v6;
	v11 =	vmul.f32 v18, v15;
	v5 =	vadd.f32 $1.000000000e+00, v8  }
0x62: {  	v3 =	vcvt.s32.f32 v3;
	v19 =	vadd.f32 $1.000000000e+00, v6;
	v9 =	vadd.f32 $6.666666860e-01, v9  }
0x63: {  	(erf) = vrcp.f32 v5;
	v18 =	vld [tilespmem:s11+$0x0];
	v5 =	vadd.f32 $2.000000000e+00, v17;
	v17 =	vadd.f32 v2, v7  }
0x64: {  	v2 =	vadd.f32 $-1.000000000e+00, v25;
	v7 =	vmul.f32 v9, v23;
	(erf) = vrcp.f32 v19  }
0x65: {  	v9 =	vsel vm2, $0xFFFFFF82, v0;
	(erf) = vrcp.f32 v20;
	v15 =	vpop (erf);
	v19 =	vld [tilespmem:s11+$0x10];
	v20 =	vmul.f32 $6.931471820e-01, v3  }
0x66: {  	v3 =	vsel vm4, $0xFFFFFF82, v0;
	v4 =	vmul.f32 v5, v4;
	v2 =	vmul.f32 v15, v2;
	v15 =	vld [tilespmem:s11+$0x20]  }
0x67: {  	v11 =	vadd.f32 v11, v14;
	v14 =	vadd.f32 $2.000000000e+00, v7;
	v3 =	vadd.s32 v16, v3  }
0x68: {  	v7 =	vadd.s32 v21, v9;
	v4 =	vadd.f32 v4, v10;
	v5 =	vmul.f32 v2, v2;
	v16 =	vld [tilespmem:s11+$0x23];
	s11 =	smov.u32 s13  }
.Ltmp0:
0x69: {  	v9 =	vsel vm3, $0xFFFFFF82, v0;
	v10 =	vmul.f32 v14, v12;
	v18 =	vmul.f32 v11, v18;
	(pc) =	sbr.rel @p0 .LBB2_2-.Ltmp0, $4  }
0x6a: {  	v9 =	vadd.s32 v24, v9;
	v14 =	vmul.f32 $2.857142980e-01, v5;
	v11 =	vmul.f32 v4, v19  }
0x6b: {  	v4 =	vadd.f32 $-1.000000000e+00, v8;
	v8 =	vmul.f32 v17, v15;
	v17 =	vadd.f32 v10, v20  }
0x6c: {  	v10 =	vcvt.s32.f32 v9;
	v9 =	vadd.f32 $4.000000060e-01, v14;
	v12 =	vpop (erf);
	v14 =	vadd.f32 v18, v13  }
0x6d: {  	v15 =	vadd.f32 $-1.000000000e+00, v22;
	v4 =	vmul.f32 v12, v4;
	v12 =	vpop (erf);
	v13 =	vmul.f32 v17, v16  }
0x6e: {  	v16 =	vpop (erf)  }
0x6f: {  	v15 =	vmul.f32 v16, v15;
	_ =	sdelay $0x1  }
0x70: {  	v17 =	vmul.f32 v15, v15  }
0x71: {  	v6 =	vadd.f32 $-1.000000000e+00, v6  }
0x72: {  	v51 =	vmul.f32 v4, v4;
	v19 =	vmul.f32 $2.857142980e-01, v17  }
0x73: {  	v6 =	vmul.f32 v12, v6  }
0x74: {  	v18 =	vmul.f32 $2.857142980e-01, v51;
	v53 =	vadd.f32 $4.000000060e-01, v19  }
0x75: {  	v54 =	vmul.f32 v6, v6  }
0x76: {  	v52 =	vadd.f32 $4.000000060e-01, v18;
	v18 =	vmul.f32 v53, v17  }
0x77: {  	v11 =	vadd.f32 v11, v14;
	v1 =	vshra.s32 v1, $0x17;
	v55 =	vmul.f32 $2.857142980e-01, v54  }
0x78: {  	v20 =	vsel vm1, $0xFFFFFF82, v0;
	v12 =	vmul.f32 v52, v51;
	v18 =	vadd.f32 $6.666666860e-01, v18  }
0x79: {  	v9 =	vmul.f32 v9, v5;
	v10 =	vmul.f32 $6.931471820e-01, v10;
	v14 =	vadd.f32 $4.000000060e-01, v55  }
0x7a: {  	v7 =	vcvt.s32.f32 v7;
	v12 =	vadd.f32 $6.666666860e-01, v12;
	v17 =	vmul.f32 v18, v17  }
0x7b: {  	v1 =	vadd.s32 v1, v20;
	v9 =	vadd.f32 $6.666666860e-01, v9;
	v14 =	vmul.f32 v14, v54  }
0x7c: {  	v1 =	vcvt.s32.f32 v1;
	v12 =	vmul.f32 v12, v51;
	v56 =	vadd.f32 $2.000000000e+00, v17  }
0x7d: {  	v59 =	vld [tilespmem:s11+$0x0];
	v3 =	vcvt.s32.f32 v3;
	v57 =	vmul.f32 v9, v5;
	v58 =	vadd.f32 $6.666666860e-01, v14  }
0x7e: {  	v1 =	vmul.f32 $6.931471820e-01, v1;
	v12 =	vadd.f32 $2.000000000e+00, v12;
	v15 =	vmul.f32 v56, v15  }
0x7f: {  	v60 =	vld [tilespmem:s11+$0x10];
	v13 =	vsel vm0, $0x0, v13;
	v8 =	vadd.f32 v8, v11;
	v9 =	vmul.f32 v58, v54  }
0x80: {  	v5 =	vadd.f32 $2.000000000e+00, v57;
	v61 =	vmul.f32 v12, v4;
	v1 =	vadd.f32 v15, v1  }
0x81: {  	v62 =	vld [tilespmem:s11+$0x20];
	v7 =	vmul.f32 $6.931471820e-01, v7;
	v8 =	vadd.f32 v13, v8;
	v9 =	vadd.f32 $2.000000000e+00, v9  }
0x82: {  	v63 =	vld [tilespmem:s11+$0x23];
	v2 =	vmul.f32 v5, v2;
	v4 =	vadd.f32 v61, v10;
	v1 =	vmul.f32 v1, v59  }
0x83: {  	v3 =	vmul.f32 $6.931471820e-01, v3;
	v6 =	vmul.f32 v9, v6  }
0x84: {  	v2 =	vadd.f32 v2, v7;
	v4 =	vmul.f32 v4, v60;
	v1 =	vadd.f32 v1, v8  }
0x85: {  	v3 =	vadd.f32 v6, v3  }
0x86: {  	v2 =	vmul.f32 v2, v62;
	v1 =	vadd.f32 v4, v1  }
0x87: {  	v3 =	vmul.f32 v3, v63  }
0x88: {  	v1 =	vadd.f32 v2, v1  }
0x89: {  	v2 =	vsel vm0, $0x0, v3  }
0x8a: {  	v1 =	vadd.f32 v2, v1;
	_ =	sdelay $0x1  }
0x8b: {  	s10 =	sadd.s32 $0x1, s10;
	v1 =	vmul.f32 $-6.103515630e-05, v1  }
0x8c: {  	p0 =	sne.s32 s10, s6  }
.Ltmp1:
0x8d: {  	[tilespmem:$0x10000] =	vst v1;
	(pc) =	sbr.rel @p0 .LBB2_1-.Ltmp1, $4  }
0x8e: {  	[hbm4b:s5+s2] =	stream.linear.scatter [tilespmem:s9], [sflag:$0x1], $0x80, $0x38;
	[tilespmem:$0x10080] =	vst v63  }
0x8f: {  	_ =	swait.ge [sflag:s7], $0x80  }
0x90: {  	[sflag:s7] =	ssyncset.done $0x0  }
0x91: {  	[sflag:s7] =	ssyncadd.s32 $0xFFFFFF80  }
0x92: {  	_ =	sfence.sel $0x180000  }
0x93: {  	[bflag:$0x0] =	sbarrier.arrive $0xFFFF  }
0x94: {  	p0 =	sne.s32 s1, $0x0;
	_ =	strace $0x90000047  }
0x95: {  	s0 =	sadd.s32 @!p0 $0x100000, s0;
	[bflag:$0x2] =	sbarrier.arrive $0xFFFF  }
0x96: {  	[sflag:s0] =	ssyncadd.tile.s32 @!p0 $0x1;
	_ =	shalt  }
.Lfunc_end2:
_tile_overlayer_lowered:
.L_overlay_start_2:
0x97: {  	(tag) =	ssettag $0x2  }
0x98: {  	s0 =	rddreg [dreg:$0x0];
	s2 =	stileid.u32  }
0x99: {  	s1 =	rddreg [dreg:$0x1];
	p0 =	sne.s32 s2, $0x0  }
0x9a: {  	s3 =	rddreg [dreg:$0x2];
	[bflag:$0x3] =	sbarrier.arrive $0xFFFF;
	s2 =	simm.s32 @!p0 $0x1C01  }
0x9b: {  	[timem:s3], [sflag:s2] =	dma.local @!p0 [hbm:s0], s1  }
0x9c: {  	s0 =	simm.s32 @!p0 $0x1  }
0x9d: {  	_ =	swait.ge @!p0 [sflag:s0], s1  }
0x9e: {  	s1 =	ssub.s32 @!p0 $0x0, s1;
	[sflag:s0] =	ssyncset.done @!p0 $0x0  }
0x9f: {  	[sflag:s0] =	ssyncadd.s32 @!p0 s1  }
0xa0: {  	[bflag:$0x3] =	sbarrier.arrive $0xFFFF  }
0xa1: {  	_ =	shalt  }

</sc_bundles>
